<compile_context>
chip_gen: v7x
topology: tpu7x:2x2x1
jax: 0.10.2.dev20260603
libtpu: 0.0.44.dev20260713+nightly
codegen_flags: <defaults>
</compile_context>

<pallas_src>
import functools
import math

import jax
import jax.numpy as jnp
from jax import lax
from jax.experimental import pallas as pl
from jax.experimental.pallas import tpu as pltpu
from jax.experimental.pallas import tpu_sc as plsc

N_EXPERTS = 64
CAPACITY_FACTOR = 1.25
AUX_COEF = 0.01

_CH = 1024
_SUB = 512
_NW = 32


def _tc_body(S, x_ref, wt_ref, idx_ref, gate_ref, hist_ref, aux_ref,
             cnt_acc, p_acc, z_acc):
    i = pl.program_id(0)
    E = wt_ref.shape[1]

    @pl.when(i == 0)
    def _init():
        cnt_acc[...] = jnp.zeros_like(cnt_acc)
        p_acc[...] = jnp.zeros_like(p_acc)
        z_acc[0] = jnp.float32(0.0)

    l = jnp.dot(x_ref[...], wt_ref[...], preferred_element_type=jnp.float32)
    m = jnp.max(l, axis=1, keepdims=True)
    ex = jnp.exp(l - m)
    s = jnp.sum(ex, axis=1, keepdims=True)
    eqf = (l == m).astype(jnp.float32)
    iota_col = lax.broadcasted_iota(jnp.int32, (E, 1), 0).astype(jnp.float32)
    idx_f = jnp.dot(eqf, iota_col, preferred_element_type=jnp.float32)
    st = jnp.transpose(s, (1, 0))
    mt = jnp.transpose(m, (1, 0))
    it = jnp.transpose(idx_f, (1, 0))
    rt = 1.0 / st
    idx_ref[0, 0, :] = jnp.minimum(it, E - 1.0).astype(jnp.int32)[0]
    gate_ref[0, 0, :] = rt[0]

    p_acc[...] += jnp.dot(rt, ex, preferred_element_type=jnp.float32)
    for j in range(_CH // _SUB):
        h = jnp.sum(eqf[j * _SUB:(j + 1) * _SUB, :], axis=0, keepdims=True)
        cnt_acc[...] += h
        hist_ref[0, j, :] = h[0].astype(jnp.int32)

    logz = mt + jnp.log(st)
    z_acc[0] += jnp.sum(logz * logz)

    @pl.when(i == pl.num_programs(0) - 1)
    def _fin():
        zl = AUX_COEF * z_acc[0] / S
        lb = (AUX_COEF * E * jnp.sum(cnt_acc[...] * p_acc[...])
              / (jnp.float32(S) * jnp.float32(S)))
        aux_ref[0] = zl + lb


def _tc_call(x2, wt):
    S, D = x2.shape
    E = wt.shape[1]
    nch = S // _CH
    return pl.pallas_call(
        functools.partial(_tc_body, S),
        grid=(nch,),
        in_specs=[
            pl.BlockSpec((_CH, D), lambda i: (i, 0)),
            pl.BlockSpec((D, E), lambda i: (0, 0)),
        ],
        out_specs=[
            pl.BlockSpec((1, 1, _CH), lambda i: (i, 0, 0)),
            pl.BlockSpec((1, 1, _CH), lambda i: (i, 0, 0)),
            pl.BlockSpec((1, _CH // _SUB, E), lambda i: (i, 0, 0)),
            pl.BlockSpec(memory_space=pltpu.MemorySpace.SMEM),
        ],
        out_shape=[
            jax.ShapeDtypeStruct((nch, 1, _CH), jnp.int32),
            jax.ShapeDtypeStruct((nch, 1, _CH), jnp.float32),
            jax.ShapeDtypeStruct((nch, _CH // _SUB, E), jnp.int32),
            jax.ShapeDtypeStruct((1,), jnp.float32),
        ],
        scratch_shapes=[
            pltpu.VMEM((1, E), jnp.float32),
            pltpu.VMEM((1, E), jnp.float32),
            pltpu.SMEM((1,), jnp.float32),
        ],
        compiler_params=pltpu.CompilerParams(
            dimension_semantics=("arbitrary",)),
    )(x2, wt)


def _make_sc_scan(S, capacity):
    E = N_EXPERTS
    sub = S // _NW
    rpt = sub // _SUB
    nhist = S // _SUB
    mesh = plsc.VectorSubcoreMesh(core_axis_name="c", subcore_axis_name="s")

    @functools.partial(
        pl.kernel,
        mesh=mesh,
        compiler_params=pltpu.CompilerParams(needs_layout_passes=False),
        out_type=jax.ShapeDtypeStruct((S,), jnp.float32),
        scratch_types=[
            pltpu.VMEM((nhist * E,), jnp.int32),
            pltpu.VMEM((sub,), jnp.int32),
            pltpu.VMEM((sub,), jnp.float32),
            pltpu.VMEM((E,), jnp.int32),
            pltpu.VMEM((sub,), jnp.float32),
        ],
    )
    def scan(e_hbm, g_hbm, h_hbm, out_hbm, all_v, e_v, g_v, cnt_v, out_v):
        wid = lax.axis_index("s") * 2 + lax.axis_index("c")
        base = wid * sub
        pltpu.sync_copy(h_hbm, all_v)
        pltpu.sync_copy(e_hbm.at[pl.ds(base, sub)], e_v)
        pltpu.sync_copy(g_hbm.at[pl.ds(base, sub)], g_v)

        def bb(t, acc):
            return tuple(a + all_v[pl.ds(t * E + 16 * j, 16)]
                         for j, a in enumerate(acc))
        z16 = jnp.zeros((16,), jnp.int32)
        acc = lax.fori_loop(0, wid * rpt, bb, (z16,) * (E // 16))
        for j in range(E // 16):
            cnt_v[pl.ds(16 * j, 16)] = acc[j]

        def sb(i, carry):
            ev = e_v[pl.ds(i * 16, 16)]
            gv = g_v[pl.ds(i * 16, 16)]
            cb = plsc.load_gather(cnt_v, [ev])
            occ, last = plsc.scan_count(ev)
            pos = cb + occ
            plsc.store_scatter(cnt_v, [ev], pos, mask=last)
            out_v[pl.ds(i * 16, 16)] = jnp.where(
                pos <= capacity, gv, jnp.float32(0.0))
            return carry
        lax.fori_loop(0, sub // 16, sb, 0)
        pltpu.sync_copy(out_v, out_hbm.at[pl.ds(base, sub)])

    return scan


def kernel(x, W):
    B, T, D = x.shape
    S = B * T
    E = W.shape[0]
    capacity = math.ceil(S / E * CAPACITY_FACTOR)

    x2 = x.reshape(S, D)
    wt = W.T

    idx2, gate2, hist, aux = _tc_call(x2, wt)
    e_flat = idx2.reshape(S)
    g_flat = gate2.reshape(S)
    h_flat = hist.reshape(-1)
    kept = _make_sc_scan(S, capacity)(e_flat, g_flat, h_flat)
    return (e_flat, kept, aux[0])

# --- scband reference (transcript-rebuilt; emitter-appended) ---
"""Pipeline reference for scband-switch-router-65687229825653 (READ-ONLY COPY).

The authoritative reference and input builder live on the scoring server;
editing this copy changes nothing except your own understanding.
"""

import math
import jax, jax.numpy as jnp
import numpy as np

N_EXPERTS = 64
CAPACITY_FACTOR = 1.25
AUX_COEF = 0.01
D_MODEL = 2048


def setup_inputs(seed: int = 0) -> dict:
    key = jax.random.key(seed)
    k1, k2 = jax.random.split(key)
    x = jax.random.normal(k1, (4, 4096, D_MODEL), dtype=jnp.float32)
    # nn.Linear(d_model, n_experts, bias=False): weight shape (n_experts, d_model)
    bound = 1.0 / math.sqrt(D_MODEL)
    W = jax.random.uniform(k2, (N_EXPERTS, D_MODEL), dtype=jnp.float32, minval=-bound, maxval=bound)
    return {"x": x, "W": W}


def reference(x, W):
    B, T, D = x.shape
    S = B * T
    x_flat = x.reshape(S, D)
    logits = x_flat @ W.T  # (S, E)
    probs = jax.nn.softmax(logits, axis=-1)
    gate_vals = jnp.max(probs, axis=-1)
    expert_idx = jnp.argmax(probs, axis=-1)

    capacity = math.ceil(S / N_EXPERTS * CAPACITY_FACTOR)
    # position of each token within its expert's queue (token-index order),
    # matching torch's nonzero()-order capacity dropping
    onehot = jax.nn.one_hot(expert_idx, N_EXPERTS, dtype=jnp.int32)
    pos_in_expert = jnp.sum(jnp.cumsum(onehot, axis=0) * onehot, axis=-1)  # 1-indexed
    keep = pos_in_expert <= capacity
    kept_gates = jnp.where(keep, gate_vals, jnp.zeros_like(gate_vals))

    # z-loss
    log_z = jax.nn.logsumexp(logits, axis=-1)
    z_loss = AUX_COEF * jnp.mean(log_z ** 2)

    # load-balance loss
    p = jnp.mean(probs, axis=0)
    counts = jnp.zeros((N_EXPERTS,), dtype=probs.dtype).at[expert_idx].add(1.0)
    f = counts / S
    lb_loss = AUX_COEF * N_EXPERTS * jnp.sum(f * p)

    aux_loss = z_loss + lb_loss
    return expert_idx, kept_gates, aux_loss

if __name__ == "__main__":
    import jax
    _d = setup_inputs()
    print(jax.jit(kernel)(*tuple(_d.values())))

</pallas_src>

<mosaic_0001>
#map = affine_map<(d0, d1) -> (0)>
module attributes {stable_mosaic.version = 14 : i64} {
  func.func @scan(%arg0: i32, %arg1: i32, %arg2: memref<16384xi32, #tpu.memory_space<hbm>>, %arg3: memref<16384xf32, #tpu.memory_space<hbm>>, %arg4: memref<2048xi32, #tpu.memory_space<hbm>>, %arg5: memref<16384xf32, #tpu.memory_space<hbm>>, %arg6: memref<2048xi32, #tpu.memory_space<vmem>>, %arg7: memref<512xi32, #tpu.memory_space<vmem>>, %arg8: memref<512xf32, #tpu.memory_space<vmem>>, %arg9: memref<64xi32, #tpu.memory_space<vmem>>, %arg10: memref<512xf32, #tpu.memory_space<vmem>>) attributes {dimension_semantics = [#tpu.dimension_semantics<core_parallel>, #tpu.dimension_semantics<subcore_parallel>], iteration_bounds = array<i64: 2, 16>, scalar_prefetch = 0 : i64, scratch_operands = 5 : i64, tpu.core_type = #tpu.core_type<sc_vector_subcore>, window_params = [{transform_indices = #map}, {transform_indices = #map}, {transform_indices = #map}, {transform_indices = #map}]} {
    %mul3A = arith.constant 2 : i32
    %mul3A_0 = arith.muli %arg1, %mul3A : i32
    %add3A = arith.addi %mul3A_0, %arg0 : i32
    %mul3A_1 = arith.constant 512 : i32
    %mul3A_2 = arith.muli %add3A, %mul3A_1 : i32
    "tpu.region"() ({
      %run_scoped3A = tpu.sem_alloc : memref<!tpu.dma_semaphore, #tpu.memory_space<semaphore_mem>>
      tpu.enqueue_dma source(%arg4 : memref<2048xi32, #tpu.memory_space<hbm>>) target(%arg6 : memref<2048xi32, #tpu.memory_space<vmem>>) target_semaphore(%run_scoped3A : memref<!tpu.dma_semaphore, #tpu.memory_space<semaphore_mem>>)
      tpu.wait_dma2 semaphore(%run_scoped3A : memref<!tpu.dma_semaphore, #tpu.memory_space<semaphore_mem>>) src(%arg4 : memref<2048xi32, #tpu.memory_space<hbm>>) dst(%arg6 : memref<2048xi32, #tpu.memory_space<vmem>>)
      tpu.yield
    }) : () -> ()
    "tpu.region"() ({
      %run_scoped3A = tpu.sem_alloc : memref<!tpu.dma_semaphore, #tpu.memory_space<semaphore_mem>>
      %dma_start3A = tpu.memref_slice %arg2[%mul3A_2] : memref<16384xi32, #tpu.memory_space<hbm>> -> memref<512xi32, #tpu.memory_space<hbm>>
      %dma_start3A_28 = tpu.memref_slice %arg2[%mul3A_2] : memref<16384xi32, #tpu.memory_space<hbm>> -> memref<512xi32, #tpu.memory_space<hbm>>
      tpu.enqueue_dma source(%dma_start3A_28 : memref<512xi32, #tpu.memory_space<hbm>>) target(%arg7 : memref<512xi32, #tpu.memory_space<vmem>>) target_semaphore(%run_scoped3A : memref<!tpu.dma_semaphore, #tpu.memory_space<semaphore_mem>>)
      %dma_wait3A = tpu.memref_slice %arg2[%mul3A_2] : memref<16384xi32, #tpu.memory_space<hbm>> -> memref<512xi32, #tpu.memory_space<hbm>>
      %dma_wait3A_29 = tpu.memref_slice %arg2[%mul3A_2] : memref<16384xi32, #tpu.memory_space<hbm>> -> memref<512xi32, #tpu.memory_space<hbm>>
      tpu.wait_dma2 semaphore(%run_scoped3A : memref<!tpu.dma_semaphore, #tpu.memory_space<semaphore_mem>>) src(%dma_wait3A_29 : memref<512xi32, #tpu.memory_space<hbm>>) dst(%arg7 : memref<512xi32, #tpu.memory_space<vmem>>)
      tpu.yield
    }) : () -> ()
    "tpu.region"() ({
      %run_scoped3A = tpu.sem_alloc : memref<!tpu.dma_semaphore, #tpu.memory_space<semaphore_mem>>
      %dma_start3A = tpu.memref_slice %arg3[%mul3A_2] : memref<16384xf32, #tpu.memory_space<hbm>> -> memref<512xf32, #tpu.memory_space<hbm>>
      %dma_start3A_28 = tpu.memref_slice %arg3[%mul3A_2] : memref<16384xf32, #tpu.memory_space<hbm>> -> memref<512xf32, #tpu.memory_space<hbm>>
      tpu.enqueue_dma source(%dma_start3A_28 : memref<512xf32, #tpu.memory_space<hbm>>) target(%arg8 : memref<512xf32, #tpu.memory_space<vmem>>) target_semaphore(%run_scoped3A : memref<!tpu.dma_semaphore, #tpu.memory_space<semaphore_mem>>)
      %dma_wait3A = tpu.memref_slice %arg3[%mul3A_2] : memref<16384xf32, #tpu.memory_space<hbm>> -> memref<512xf32, #tpu.memory_space<hbm>>
      %dma_wait3A_29 = tpu.memref_slice %arg3[%mul3A_2] : memref<16384xf32, #tpu.memory_space<hbm>> -> memref<512xf32, #tpu.memory_space<hbm>>
      tpu.wait_dma2 semaphore(%run_scoped3A : memref<!tpu.dma_semaphore, #tpu.memory_space<semaphore_mem>>) src(%dma_wait3A_29 : memref<512xf32, #tpu.memory_space<hbm>>) dst(%arg8 : memref<512xf32, #tpu.memory_space<vmem>>)
      tpu.yield
    }) : () -> ()
    %broadcast_in_dim3A = arith.constant 0 : i32
    %broadcast_in_dim3A_3 = vector.broadcast %broadcast_in_dim3A : i32 to vector<16xi32>
    %mul3A_4 = arith.constant 1 : i32
    %mul3A_5 = arith.muli %add3A, %mul3A_4 : i32
    %while3A = arith.constant 0 : i32
    %while3A_6 = arith.subi %mul3A_5, %while3A : i32
    %while3A_7 = arith.addi %while3A, %while3A_6 : i32
    %while3A_8 = arith.constant 1 : i32
    %while3A_9 = arith.divsi %while3A_6, %while3A_8 : i32
    %while3A_10 = arith.muli %while3A_9, %while3A_8 : i32
    %while3A_11 = arith.addi %while3A, %while3A_10 : i32
    %while3A_12 = arith.constant 1 : i32
    %while3A_13:4 = scf.for %while3A_28 = %while3A to %while3A_11 step %while3A_12 iter_args(%while3A_29 = %broadcast_in_dim3A_3, %while3A_30 = %broadcast_in_dim3A_3, %while3A_31 = %broadcast_in_dim3A_3, %while3A_32 = %broadcast_in_dim3A_3) -> (vector<16xi32>, vector<16xi32>, vector<16xi32>, vector<16xi32>)  : i32 {
      %mul3A_33 = arith.constant 64 : i32
      %mul3A_34 = arith.muli %while3A_28, %mul3A_33 : i32
      %add3A_35 = arith.constant 0 : i32
      %add3A_36 = arith.addi %mul3A_34, %add3A_35 : i32
      %get3A = arith.index_cast %add3A_36 : i32 to index
      %get3A_37 = tpu.vector_load %arg6[%get3A] {strides = array<i32>} : memref<2048xi32, #tpu.memory_space<vmem>>, vector<16xi32>,
      %add3A_38 = arith.addi %while3A_29, %get3A_37 : vector<16xi32>
      %mul3A_39 = arith.constant 64 : i32
      %mul3A_40 = arith.muli %while3A_28, %mul3A_39 : i32
      %add3A_41 = arith.constant 16 : i32
      %add3A_42 = arith.addi %mul3A_40, %add3A_41 : i32
      %get3A_43 = arith.index_cast %add3A_42 : i32 to index
      %get3A_44 = tpu.vector_load %arg6[%get3A_43] {strides = array<i32>} : memref<2048xi32, #tpu.memory_space<vmem>>, vector<16xi32>,
      %add3A_45 = arith.addi %while3A_30, %get3A_44 : vector<16xi32>
      %mul3A_46 = arith.constant 64 : i32
      %mul3A_47 = arith.muli %while3A_28, %mul3A_46 : i32
      %add3A_48 = arith.constant 32 : i32
      %add3A_49 = arith.addi %mul3A_47, %add3A_48 : i32
      %get3A_50 = arith.index_cast %add3A_49 : i32 to index
      %get3A_51 = tpu.vector_load %arg6[%get3A_50] {strides = array<i32>} : memref<2048xi32, #tpu.memory_space<vmem>>, vector<16xi32>,
      %add3A_52 = arith.addi %while3A_31, %get3A_51 : vector<16xi32>
      %mul3A_53 = arith.constant 64 : i32
      %mul3A_54 = arith.muli %while3A_28, %mul3A_53 : i32
      %add3A_55 = arith.constant 48 : i32
      %add3A_56 = arith.addi %mul3A_54, %add3A_55 : i32
      %get3A_57 = arith.index_cast %add3A_56 : i32 to index
      %get3A_58 = tpu.vector_load %arg6[%get3A_57] {strides = array<i32>} : memref<2048xi32, #tpu.memory_space<vmem>>, vector<16xi32>,
      %add3A_59 = arith.addi %while3A_32, %get3A_58 : vector<16xi32>
      scf.yield %add3A_38, %add3A_45, %add3A_52, %add3A_59 : vector<16xi32>, vector<16xi32>, vector<16xi32>, vector<16xi32>
    }
    %while3A_14 = arith.constant 1 : i32
    %while3A_15:4 = scf.for %while3A_28 = %while3A_11 to %while3A_7 step %while3A_14 iter_args(%while3A_29 = %while3A_13#0, %while3A_30 = %while3A_13#1, %while3A_31 = %while3A_13#2, %while3A_32 = %while3A_13#3) -> (vector<16xi32>, vector<16xi32>, vector<16xi32>, vector<16xi32>)  : i32 {
      %mul3A_33 = arith.constant 64 : i32
      %mul3A_34 = arith.muli %while3A_28, %mul3A_33 : i32
      %add3A_35 = arith.constant 0 : i32
      %add3A_36 = arith.addi %mul3A_34, %add3A_35 : i32
      %get3A = arith.index_cast %add3A_36 : i32 to index
      %get3A_37 = tpu.vector_load %arg6[%get3A] {strides = array<i32>} : memref<2048xi32, #tpu.memory_space<vmem>>, vector<16xi32>,
      %add3A_38 = arith.addi %while3A_29, %get3A_37 : vector<16xi32>
      %mul3A_39 = arith.constant 64 : i32
      %mul3A_40 = arith.muli %while3A_28, %mul3A_39 : i32
      %add3A_41 = arith.constant 16 : i32
      %add3A_42 = arith.addi %mul3A_40, %add3A_41 : i32
      %get3A_43 = arith.index_cast %add3A_42 : i32 to index
      %get3A_44 = tpu.vector_load %arg6[%get3A_43] {strides = array<i32>} : memref<2048xi32, #tpu.memory_space<vmem>>, vector<16xi32>,
      %add3A_45 = arith.addi %while3A_30, %get3A_44 : vector<16xi32>
      %mul3A_46 = arith.constant 64 : i32
      %mul3A_47 = arith.muli %while3A_28, %mul3A_46 : i32
      %add3A_48 = arith.constant 32 : i32
      %add3A_49 = arith.addi %mul3A_47, %add3A_48 : i32
      %get3A_50 = arith.index_cast %add3A_49 : i32 to index
      %get3A_51 = tpu.vector_load %arg6[%get3A_50] {strides = array<i32>} : memref<2048xi32, #tpu.memory_space<vmem>>, vector<16xi32>,
      %add3A_52 = arith.addi %while3A_31, %get3A_51 : vector<16xi32>
      %mul3A_53 = arith.constant 64 : i32
      %mul3A_54 = arith.muli %while3A_28, %mul3A_53 : i32
      %add3A_55 = arith.constant 48 : i32
      %add3A_56 = arith.addi %mul3A_54, %add3A_55 : i32
      %get3A_57 = arith.index_cast %add3A_56 : i32 to index
      %get3A_58 = tpu.vector_load %arg6[%get3A_57] {strides = array<i32>} : memref<2048xi32, #tpu.memory_space<vmem>>, vector<16xi32>,
      %add3A_59 = arith.addi %while3A_32, %get3A_58 : vector<16xi32>
      scf.yield %add3A_38, %add3A_45, %add3A_52, %add3A_59 : vector<16xi32>, vector<16xi32>, vector<16xi32>, vector<16xi32>
    }
    %swap3A = arith.constant 0 : index
    %swap3A_16 = tpu.vector_load %arg9[%swap3A] {strides = array<i32>} : memref<64xi32, #tpu.memory_space<vmem>>, vector<16xi32>,
    tpu.vector_store %arg9[%swap3A], %while3A_15#0 {strides = array<i32>} : memref<64xi32, #tpu.memory_space<vmem>>, vector<16xi32>,
    %swap3A_17 = arith.constant 16 : index
    %swap3A_18 = tpu.vector_load %arg9[%swap3A_17] {strides = array<i32>} : memref<64xi32, #tpu.memory_space<vmem>>, vector<16xi32>,
    tpu.vector_store %arg9[%swap3A_17], %while3A_15#1 {strides = array<i32>} : memref<64xi32, #tpu.memory_space<vmem>>, vector<16xi32>,
    %swap3A_19 = arith.constant 32 : index
    %swap3A_20 = tpu.vector_load %arg9[%swap3A_19] {strides = array<i32>} : memref<64xi32, #tpu.memory_space<vmem>>, vector<16xi32>,
    tpu.vector_store %arg9[%swap3A_19], %while3A_15#2 {strides = array<i32>} : memref<64xi32, #tpu.memory_space<vmem>>, vector<16xi32>,
    %swap3A_21 = arith.constant 48 : index
    %swap3A_22 = tpu.vector_load %arg9[%swap3A_21] {strides = array<i32>} : memref<64xi32, #tpu.memory_space<vmem>>, vector<16xi32>,
    tpu.vector_store %arg9[%swap3A_21], %while3A_15#3 {strides = array<i32>} : memref<64xi32, #tpu.memory_space<vmem>>, vector<16xi32>,
    %scan3A = arith.constant 0 : i32
    %scan3A_23 = arith.constant 0 : i32
    %scan3A_24 = arith.constant 32 : i32
    %scan3A_25 = arith.addi %scan3A_23, %scan3A_24 : i32
    %scan3A_26 = arith.constant 1 : i32
    scf.for %scan3A_28 = %scan3A_23 to %scan3A_25 step %scan3A_26  : i32 {
      %mul3A_29 = arith.constant 16 : i32
      %mul3A_30 = arith.muli %scan3A_28, %mul3A_29 : i32
      %get3A = arith.index_cast %mul3A_30 : i32 to index
      %get3A_31 = tpu.vector_load %arg7[%get3A] {strides = array<i32>} : memref<512xi32, #tpu.memory_space<vmem>>, vector<16xi32>,
      %mul3A_32 = arith.constant 16 : i32
      %mul3A_33 = arith.muli %scan3A_28, %mul3A_32 : i32
      %get3A_34 = arith.index_cast %mul3A_33 : i32 to index
      %get3A_35 = tpu.vector_load %arg8[%get3A_34] {strides = array<i32>} : memref<512xf32, #tpu.memory_space<vmem>>, vector<16xf32>,
      %gather3A = tpu.vector_load_idx %arg9[%get3A_31] : memref<64xi32, #tpu.memory_space<vmem>>[vector<16xi32>], vector<16xi32>,
      %broadcast_in_dim3A_36 = arith.constant true
      %broadcast_in_dim3A_37 = vector.broadcast %broadcast_in_dim3A_36 : i1 to vector<16xi1>
      %unique3A, %unique3A_38 = tpu.scan_count mask(%broadcast_in_dim3A_37 : vector<16xi1>) value(%get3A_31 : vector<16xi32>) : vector<16xi1>, vector<16xi32>
      %add3A_39 = arith.addi %gather3A, %unique3A_38 : vector<16xi32>
      tpu.vector_store_idx %arg9[%get3A_31], %add3A_39 masked %unique3A : memref<64xi32, #tpu.memory_space<vmem>>[vector<16xi32>], vector<16xi32>, vector<16xi1>
      %le3A = arith.constant 320 : i32
      %le3A_40 = vector.broadcast %le3A : i32 to vector<16xi32>
      %le3A_41 = arith.cmpi sle, %add3A_39, %le3A_40 : vector<16xi32>
      %jit3A = arith.constant 0.000000e+00 : f32
      %broadcast_in_dim3A_42 = vector.broadcast %jit3A : f32 to vector<16xf32>
      %select_n3A = arith.select %le3A_41, %get3A_35, %broadcast_in_dim3A_42 : vector<16xi1>, vector<16xf32>
      %mul3A_43 = arith.constant 16 : i32
      %mul3A_44 = arith.muli %scan3A_28, %mul3A_43 : i32
      %swap3A_45 = arith.index_cast %mul3A_44 : i32 to index
      %swap3A_46 = tpu.vector_load %arg10[%swap3A_45] {strides = array<i32>} : memref<512xf32, #tpu.memory_space<vmem>>, vector<16xf32>,
      tpu.vector_store %arg10[%swap3A_45], %select_n3A {strides = array<i32>} : memref<512xf32, #tpu.memory_space<vmem>>, vector<16xf32>,
    }
    %scan3A_27 = arith.constant 32 : i32
    "tpu.region"() ({
      %run_scoped3A = tpu.sem_alloc : memref<!tpu.dma_semaphore, #tpu.memory_space<semaphore_mem>>
      %dma_start3A = tpu.memref_slice %arg5[%mul3A_2] : memref<16384xf32, #tpu.memory_space<hbm>> -> memref<512xf32, #tpu.memory_space<hbm>>
      %dma_start3A_28 = tpu.memref_slice %arg5[%mul3A_2] : memref<16384xf32, #tpu.memory_space<hbm>> -> memref<512xf32, #tpu.memory_space<hbm>>
      tpu.enqueue_dma source(%arg10 : memref<512xf32, #tpu.memory_space<vmem>>) target(%dma_start3A_28 : memref<512xf32, #tpu.memory_space<hbm>>) target_semaphore(%run_scoped3A : memref<!tpu.dma_semaphore, #tpu.memory_space<semaphore_mem>>)
      %dma_wait3A = tpu.memref_slice %arg5[%mul3A_2] : memref<16384xf32, #tpu.memory_space<hbm>> -> memref<512xf32, #tpu.memory_space<hbm>>
      %dma_wait3A_29 = tpu.memref_slice %arg5[%mul3A_2] : memref<16384xf32, #tpu.memory_space<hbm>> -> memref<512xf32, #tpu.memory_space<hbm>>
      tpu.wait_dma2 semaphore(%run_scoped3A : memref<!tpu.dma_semaphore, #tpu.memory_space<semaphore_mem>>) src(%arg10 : memref<512xf32, #tpu.memory_space<vmem>>) dst(%dma_wait3A_29 : memref<512xf32, #tpu.memory_space<hbm>>)
      tpu.yield
    }) : () -> ()
    return
  }
}

module attributes {stable_mosaic.version = 14 : i64} {
  func.func @_tc_body(%arg0: i32, %arg1: memref<1024x2048xf32, #tpu.memory_space<vmem>>, %arg2: memref<2048x64xf32, #tpu.memory_space<vmem>>, %arg3: memref<1x1x1024xi32, #tpu.memory_space<vmem>>, %arg4: memref<1x1x1024xf32, #tpu.memory_space<vmem>>, %arg5: memref<1x2x64xi32, #tpu.memory_space<vmem>>, %arg6: memref<1xf32, #tpu.memory_space<smem>>, %arg7: memref<1x64xf32, #tpu.memory_space<vmem>>, %arg8: memref<1x64xf32, #tpu.memory_space<vmem>>, %arg9: memref<1xf32, #tpu.memory_space<smem>>) attributes {dimension_semantics = [#tpu.dimension_semantics<arbitrary>], iteration_bounds = array<i64: 16>, scalar_prefetch = 0 : i64, scratch_operands = 3 : i64, tpu.core_type = #tpu.core_type<tc>, window_params = [{transform_indices = @transform_0, window_bounds = array<i64: 1024, 2048>}, {pipeline_mode = #tpu.pipeline_mode<synchronous>, transform_indices = @transform_1, window_bounds = array<i64: 2048, 64>}, {transform_indices = @transform_2, window_bounds = array<i64: 1, 1, 1024>}, {transform_indices = @transform_3, window_bounds = array<i64: 1, 1, 1024>}, {transform_indices = @transform_4, window_bounds = array<i64: 1, 2, 64>}, {transform_indices = @transform_5, window_bounds = array<i64: 1>}]} {
    %eq3A = arith.constant 0 : i32
    %eq3A_0 = arith.cmpi eq, %arg0, %eq3A : i32
    %convert_element_type3A = arith.extui %eq3A_0 : i1 to i32
    %cond3A = arith.constant 0 : i32
    %cond3A_1 = arith.cmpi ne, %convert_element_type3A, %cond3A : i32
    scf.if %cond3A_1 {
      %broadcast_in_dim3A_99 = arith.constant 0.000000e+00 : f32
      %broadcast_in_dim3A_100 = vector.broadcast %broadcast_in_dim3A_99 : f32 to vector<1x64xf32>
      %swap3A_101 = arith.constant 0 : index
      %swap3A_102 = arith.constant 0 : index
      %swap3A_103 = vector.load %arg7[%swap3A_101, %swap3A_102] : memref<1x64xf32, #tpu.memory_space<vmem>>, vector<1x64xf32>
      tpu.vector_store %arg7[%swap3A_101, %swap3A_102], %broadcast_in_dim3A_100 {strides = array<i32>} : memref<1x64xf32, #tpu.memory_space<vmem>>, vector<1x64xf32>,
      %broadcast_in_dim3A_104 = arith.constant 0.000000e+00 : f32
      %broadcast_in_dim3A_105 = vector.broadcast %broadcast_in_dim3A_104 : f32 to vector<1x64xf32>
      %swap3A_106 = arith.constant 0 : index
      %swap3A_107 = arith.constant 0 : index
      %swap3A_108 = vector.load %arg8[%swap3A_106, %swap3A_107] : memref<1x64xf32, #tpu.memory_space<vmem>>, vector<1x64xf32>
      tpu.vector_store %arg8[%swap3A_106, %swap3A_107], %broadcast_in_dim3A_105 {strides = array<i32>} : memref<1x64xf32, #tpu.memory_space<vmem>>, vector<1x64xf32>,
      %swap3A_109 = arith.constant 0.000000e+00 : f32
      %swap3A_110 = arith.constant 0 : index
      %swap3A_111 = memref.load %arg9[%swap3A_110] : memref<1xf32, #tpu.memory_space<smem>>
      memref.store %swap3A_109, %arg9[%swap3A_110] : memref<1xf32, #tpu.memory_space<smem>>
    } else {
    }
    %get3A = arith.constant 0 : index
    %get3A_2 = arith.constant 0 : index
    %get3A_3 = vector.load %arg1[%get3A, %get3A_2] : memref<1024x2048xf32, #tpu.memory_space<vmem>>, vector<1024x2048xf32>
    %get3A_4 = arith.constant 0 : index
    %get3A_5 = arith.constant 0 : index
    %get3A_6 = vector.load %arg2[%get3A_4, %get3A_5] : memref<2048x64xf32, #tpu.memory_space<vmem>>, vector<2048x64xf32>
    %dot_general3A = arith.constant dense<0.000000e+00> : vector<1024x64xf32>
    %dot_general3A_7 = tpu.matmul %get3A_3, %get3A_6, %dot_general3A {dimension_numbers = #tpu.dot_dimension_numbers<[1], [0], [0], [1], [0, 0, 1, 1], [], []>, transpose_lhs_hint = false} : vector<1024x2048xf32>, vector<2048x64xf32>, vector<1024x64xf32> -> vector<1024x64xf32>
    %reduce_max3A = arith.constant dense<0xFF800000> : vector<1024xf32>
    %reduce_max3A_8 = vector.multi_reduction <maximumf>, %dot_general3A_7, %reduce_max3A [1] : vector<1024x64xf32> to vector<1024xf32>
    %broadcast_in_dim3A = vector.shape_cast %reduce_max3A_8 : vector<1024xf32> to vector<1024x1xf32>
    %sub3A = vector.broadcast %broadcast_in_dim3A : vector<1024x1xf32> to vector<1024x64xf32>
    %sub3A_9 = arith.subf %dot_general3A_7, %sub3A : vector<1024x64xf32>
    %exp3A = math.exp %sub3A_9 : vector<1024x64xf32>
    %reduce_sum3A = arith.constant dense<0.000000e+00> : vector<1024xf32>
    %reduce_sum3A_10 = vector.multi_reduction <add>, %exp3A, %reduce_sum3A [1] : vector<1024x64xf32> to vector<1024xf32>
    %broadcast_in_dim3A_11 = vector.shape_cast %reduce_sum3A_10 : vector<1024xf32> to vector<1024x1xf32>
    %eq3A_12 = vector.broadcast %broadcast_in_dim3A : vector<1024x1xf32> to vector<1024x64xf32>
    %eq3A_13 = arith.cmpf oeq, %dot_general3A_7, %eq3A_12 : vector<1024x64xf32>
    %convert_element_type3A_14 = arith.extui %eq3A_13 : vector<1024x64xi1> to vector<1024x64xi32>
    %convert_element_type3A_15 = arith.sitofp %convert_element_type3A_14 : vector<1024x64xi32> to vector<1024x64xf32>
    %iota3A = tpu.iota {dimensions = array<i32: 0>} : vector<64x1xi32>
    %convert_element_type3A_16 = arith.sitofp %iota3A : vector<64x1xi32> to vector<64x1xf32>
    %dot_general3A_17 = arith.constant dense<0.000000e+00> : vector<1024x1xf32>
    %dot_general3A_18 = tpu.matmul %convert_element_type3A_15, %convert_element_type3A_16, %dot_general3A_17 {dimension_numbers = #tpu.dot_dimension_numbers<[1], [0], [0], [1], [0, 0, 1, 1], [], []>, transpose_lhs_hint = false} : vector<1024x64xf32>, vector<64x1xf32>, vector<1024x1xf32> -> vector<1024x1xf32>
    %transpose3A = tpu.transpose %broadcast_in_dim3A_11, [1, 0] : vector<1024x1xf32> -> vector<1x1024xf32>
    %transpose3A_19 = tpu.transpose %broadcast_in_dim3A, [1, 0] : vector<1024x1xf32> -> vector<1x1024xf32>
    %transpose3A_20 = tpu.transpose %dot_general3A_18, [1, 0] : vector<1024x1xf32> -> vector<1x1024xf32>
    %div3A = arith.constant 1.000000e+00 : f32
    %div3A_21 = vector.broadcast %div3A : f32 to vector<1x1024xf32>
    %div3A_22 = arith.divf %div3A_21, %transpose3A : vector<1x1024xf32>
    %min3A = arith.constant 6.300000e+01 : f32
    %min3A_23 = vector.broadcast %min3A : f32 to vector<1x1024xf32>
    %min3A_24 = arith.minimumf %transpose3A_20, %min3A_23 : vector<1x1024xf32>
    %convert_element_type3A_25 = arith.fptosi %min3A_24 : vector<1x1024xf32> to vector<1x1024xi32>
    %squeeze3A = vector.shape_cast %convert_element_type3A_25 : vector<1x1024xi32> to vector<1024xi32>
    %swap3A = arith.constant 0 : index
    %swap3A_26 = arith.constant 0 : index
    %swap3A_27 = arith.constant 0 : index
    %swap3A_28 = vector.load %arg3[%swap3A, %swap3A_26, %swap3A_27] : memref<1x1x1024xi32, #tpu.memory_space<vmem>>, vector<1x1x1024xi32>
    %swap3A_29 = vector.shape_cast %swap3A_28 : vector<1x1x1024xi32> to vector<1024xi32>
    %swap3A_30 = vector.shape_cast %squeeze3A : vector<1024xi32> to vector<1x1x1024xi32>
    tpu.vector_store %arg3[%swap3A, %swap3A_26, %swap3A_27], %swap3A_30 {strides = array<i32>} : memref<1x1x1024xi32, #tpu.memory_space<vmem>>, vector<1x1x1024xi32>,
    %squeeze3A_31 = vector.shape_cast %div3A_22 : vector<1x1024xf32> to vector<1024xf32>
    %swap3A_32 = arith.constant 0 : index
    %swap3A_33 = arith.constant 0 : index
    %swap3A_34 = arith.constant 0 : index
    %swap3A_35 = vector.load %arg4[%swap3A_32, %swap3A_33, %swap3A_34] : memref<1x1x1024xf32, #tpu.memory_space<vmem>>, vector<1x1x1024xf32>
    %swap3A_36 = vector.shape_cast %swap3A_35 : vector<1x1x1024xf32> to vector<1024xf32>
    %swap3A_37 = vector.shape_cast %squeeze3A_31 : vector<1024xf32> to vector<1x1x1024xf32>
    tpu.vector_store %arg4[%swap3A_32, %swap3A_33, %swap3A_34], %swap3A_37 {strides = array<i32>} : memref<1x1x1024xf32, #tpu.memory_space<vmem>>, vector<1x1x1024xf32>,
    %get3A_38 = arith.constant 0 : index
    %get3A_39 = arith.constant 0 : index
    %get3A_40 = vector.load %arg8[%get3A_38, %get3A_39] : memref<1x64xf32, #tpu.memory_space<vmem>>, vector<1x64xf32>
    %dot_general3A_41 = arith.constant dense<0.000000e+00> : vector<1x64xf32>
    %dot_general3A_42 = tpu.matmul %div3A_22, %exp3A, %dot_general3A_41 {dimension_numbers = #tpu.dot_dimension_numbers<[1], [0], [0], [1], [0, 0, 1, 1], [], []>, transpose_lhs_hint = false} : vector<1x1024xf32>, vector<1024x64xf32>, vector<1x64xf32> -> vector<1x64xf32>
    %add3A = arith.addf %get3A_40, %dot_general3A_42 : vector<1x64xf32>
    %swap3A_43 = arith.constant 0 : index
    %swap3A_44 = arith.constant 0 : index
    %swap3A_45 = vector.load %arg8[%swap3A_43, %swap3A_44] : memref<1x64xf32, #tpu.memory_space<vmem>>, vector<1x64xf32>
    tpu.vector_store %arg8[%swap3A_43, %swap3A_44], %add3A {strides = array<i32>} : memref<1x64xf32, #tpu.memory_space<vmem>>, vector<1x64xf32>,
    %slice3A = vector.extract_strided_slice %convert_element_type3A_15 {offsets = [0, 0], sizes = [512, 64], strides = [1, 1]} : vector<1024x64xf32> to vector<512x64xf32>
    %reduce_sum3A_46 = arith.constant dense<0.000000e+00> : vector<64xf32>
    %reduce_sum3A_47 = vector.multi_reduction <add>, %slice3A, %reduce_sum3A_46 [0] : vector<512x64xf32> to vector<64xf32>
    %broadcast_in_dim3A_48 = vector.shape_cast %reduce_sum3A_47 : vector<64xf32> to vector<1x64xf32>
    %get3A_49 = arith.constant 0 : index
    %get3A_50 = arith.constant 0 : index
    %get3A_51 = vector.load %arg7[%get3A_49, %get3A_50] : memref<1x64xf32, #tpu.memory_space<vmem>>, vector<1x64xf32>
    %add3A_52 = arith.addf %get3A_51, %broadcast_in_dim3A_48 : vector<1x64xf32>
    %swap3A_53 = arith.constant 0 : index
    %swap3A_54 = arith.constant 0 : index
    %swap3A_55 = vector.load %arg7[%swap3A_53, %swap3A_54] : memref<1x64xf32, #tpu.memory_space<vmem>>, vector<1x64xf32>
    tpu.vector_store %arg7[%swap3A_53, %swap3A_54], %add3A_52 {strides = array<i32>} : memref<1x64xf32, #tpu.memory_space<vmem>>, vector<1x64xf32>,
    %squeeze3A_56 = vector.shape_cast %broadcast_in_dim3A_48 : vector<1x64xf32> to vector<64xf32>
    %convert_element_type3A_57 = arith.fptosi %squeeze3A_56 : vector<64xf32> to vector<64xi32>
    %swap3A_58 = arith.constant 0 : index
    %swap3A_59 = arith.constant 0 : index
    %swap3A_60 = arith.constant 0 : index
    %swap3A_61 = vector.load %arg5[%swap3A_58, %swap3A_59, %swap3A_60] : memref<1x2x64xi32, #tpu.memory_space<vmem>>, vector<1x1x64xi32>
    %swap3A_62 = vector.shape_cast %swap3A_61 : vector<1x1x64xi32> to vector<64xi32>
    %swap3A_63 = vector.shape_cast %convert_element_type3A_57 : vector<64xi32> to vector<1x1x64xi32>
    tpu.vector_store %arg5[%swap3A_58, %swap3A_59, %swap3A_60], %swap3A_63 {strides = array<i32>} : memref<1x2x64xi32, #tpu.memory_space<vmem>>, vector<1x1x64xi32>,
    %slice3A_64 = vector.extract_strided_slice %convert_element_type3A_15 {offsets = [512, 0], sizes = [512, 64], strides = [1, 1]} : vector<1024x64xf32> to vector<512x64xf32>
    %reduce_sum3A_65 = arith.constant dense<0.000000e+00> : vector<64xf32>
    %reduce_sum3A_66 = vector.multi_reduction <add>, %slice3A_64, %reduce_sum3A_65 [0] : vector<512x64xf32> to vector<64xf32>
    %broadcast_in_dim3A_67 = vector.shape_cast %reduce_sum3A_66 : vector<64xf32> to vector<1x64xf32>
    %get3A_68 = arith.constant 0 : index
    %get3A_69 = arith.constant 0 : index
    %get3A_70 = vector.load %arg7[%get3A_68, %get3A_69] : memref<1x64xf32, #tpu.memory_space<vmem>>, vector<1x64xf32>
    %add3A_71 = arith.addf %get3A_70, %broadcast_in_dim3A_67 : vector<1x64xf32>
    %swap3A_72 = arith.constant 0 : index
    %swap3A_73 = arith.constant 0 : index
    %swap3A_74 = vector.load %arg7[%swap3A_72, %swap3A_73] : memref<1x64xf32, #tpu.memory_space<vmem>>, vector<1x64xf32>
    tpu.vector_store %arg7[%swap3A_72, %swap3A_73], %add3A_71 {strides = array<i32>} : memref<1x64xf32, #tpu.memory_space<vmem>>, vector<1x64xf32>,
    %squeeze3A_75 = vector.shape_cast %broadcast_in_dim3A_67 : vector<1x64xf32> to vector<64xf32>
    %convert_element_type3A_76 = arith.fptosi %squeeze3A_75 : vector<64xf32> to vector<64xi32>
    %swap3A_77 = arith.constant 0 : index
    %swap3A_78 = arith.constant 1 : index
    %swap3A_79 = arith.constant 0 : index
    %swap3A_80 = vector.load %arg5[%swap3A_77, %swap3A_78, %swap3A_79] : memref<1x2x64xi32, #tpu.memory_space<vmem>>, vector<1x1x64xi32>
    %swap3A_81 = vector.shape_cast %swap3A_80 : vector<1x1x64xi32> to vector<64xi32>
    %swap3A_82 = vector.shape_cast %convert_element_type3A_76 : vector<64xi32> to vector<1x1x64xi32>
    tpu.vector_store %arg5[%swap3A_77, %swap3A_78, %swap3A_79], %swap3A_82 {strides = array<i32>} : memref<1x2x64xi32, #tpu.memory_space<vmem>>, vector<1x1x64xi32>,
    %log3A = math.log %transpose3A : vector<1x1024xf32>
    %add3A_83 = arith.addf %transpose3A_19, %log3A : vector<1x1024xf32>
    %get3A_84 = arith.constant 0 : index
    %get3A_85 = memref.load %arg9[%get3A_84] : memref<1xf32, #tpu.memory_space<smem>>
    %mul3A = arith.mulf %add3A_83, %add3A_83 : vector<1x1024xf32>
    %reduce_sum3A_86 = vector.shape_cast %mul3A : vector<1x1024xf32> to vector<1x1x1024xf32>
    %reduce_sum3A_87 = arith.constant dense<0.000000e+00> : vector<1xf32>
    %reduce_sum3A_88 = vector.multi_reduction <add>, %reduce_sum3A_86, %reduce_sum3A_87 [1, 2] : vector<1x1x1024xf32> to vector<1xf32>
    %reduce_sum3A_89 = vector.shape_cast %reduce_sum3A_88 : vector<1xf32> to vector<1x1x1xf32>
    %reduce_sum3A_90 = vector.extract %reduce_sum3A_89[0, 0, 0] : f32 from vector<1x1x1xf32>
    %add3A_91 = arith.addf %get3A_85, %reduce_sum3A_90 : f32
    %swap3A_92 = arith.constant 0 : index
    %swap3A_93 = memref.load %arg9[%swap3A_92] : memref<1xf32, #tpu.memory_space<smem>>
    memref.store %add3A_91, %arg9[%swap3A_92] : memref<1xf32, #tpu.memory_space<smem>>
    %eq3A_94 = arith.constant 15 : i32
    %eq3A_95 = arith.cmpi eq, %arg0, %eq3A_94 : i32
    %convert_element_type3A_96 = arith.extui %eq3A_95 : i1 to i32
    %cond3A_97 = arith.constant 0 : i32
    %cond3A_98 = arith.cmpi ne, %convert_element_type3A_96, %cond3A_97 : i32
    scf.if %cond3A_98 {
      %get3A_99 = arith.constant 0 : index
      %get3A_100 = memref.load %arg9[%get3A_99] : memref<1xf32, #tpu.memory_space<smem>>
      %mul3A_101 = arith.constant 0.00999999977 : f32
      %mul3A_102 = arith.mulf %mul3A_101, %get3A_100 : f32
      %div3A_103 = arith.constant 1.638400e+04 : f32
      %div3A_104 = arith.divf %mul3A_102, %div3A_103 : f32
      %get3A_105 = arith.constant 0 : index
      %get3A_106 = arith.constant 0 : index
      %get3A_107 = vector.load %arg7[%get3A_105, %get3A_106] : memref<1x64xf32, #tpu.memory_space<vmem>>, vector<1x64xf32>
      %get3A_108 = arith.constant 0 : index
      %get3A_109 = arith.constant 0 : index
      %get3A_110 = vector.load %arg8[%get3A_108, %get3A_109] : memref<1x64xf32, #tpu.memory_space<vmem>>, vector<1x64xf32>
      %mul3A_111 = arith.mulf %get3A_107, %get3A_110 : vector<1x64xf32>
      %reduce_sum3A_112 = vector.shape_cast %mul3A_111 : vector<1x64xf32> to vector<1x1x64xf32>
      %reduce_sum3A_113 = arith.constant dense<0.000000e+00> : vector<1xf32>
      %reduce_sum3A_114 = vector.multi_reduction <add>, %reduce_sum3A_112, %reduce_sum3A_113 [1, 2] : vector<1x1x64xf32> to vector<1xf32>
      %reduce_sum3A_115 = vector.shape_cast %reduce_sum3A_114 : vector<1xf32> to vector<1x1x1xf32>
      %reduce_sum3A_116 = vector.extract %reduce_sum3A_115[0, 0, 0] : f32 from vector<1x1x1xf32>
      %mul3A_117 = arith.constant 6.400000e-01 : f32
      %mul3A_118 = arith.mulf %mul3A_117, %reduce_sum3A_116 : f32
      %mul3A_119 = arith.constant 1.638400e+04 : f32
      %mul3A_120 = arith.constant 1.638400e+04 : f32
      %mul3A_121 = arith.mulf %mul3A_119, %mul3A_120 : f32
      %div3A_122 = arith.divf %mul3A_118, %mul3A_121 : f32
      %add3A_123 = arith.addf %div3A_104, %div3A_122 : f32
      %swap3A_124 = arith.constant 0 : index
      %swap3A_125 = memref.load %arg6[%swap3A_124] : memref<1xf32, #tpu.memory_space<smem>>
      memref.store %add3A_123, %arg6[%swap3A_124] : memref<1xf32, #tpu.memory_space<smem>>
    } else {
    }
    return
  }
  func.func @transform_0(%arg0: i32) -> (i32, i32) {
    %c0_i32 = arith.constant 0 : i32
    %c0_i32_0 = arith.constant 0 : i32
    return %arg0, %c0_i32 : i32, i32
  }
  func.func @transform_1(%arg0: i32) -> (i32, i32) {
    %c0_i32 = arith.constant 0 : i32
    %c0_i32_0 = arith.constant 0 : i32
    %c0_i32_1 = arith.constant 0 : i32
    return %c0_i32, %c0_i32_0 : i32, i32
  }
  func.func @transform_2(%arg0: i32) -> (i32, i32, i32) {
    %c0_i32 = arith.constant 0 : i32
    %c0_i32_0 = arith.constant 0 : i32
    %c0_i32_1 = arith.constant 0 : i32
    return %arg0, %c0_i32, %c0_i32_0 : i32, i32, i32
  }
  func.func @transform_3(%arg0: i32) -> (i32, i32, i32) {
    %c0_i32 = arith.constant 0 : i32
    %c0_i32_0 = arith.constant 0 : i32
    %c0_i32_1 = arith.constant 0 : i32
    return %arg0, %c0_i32, %c0_i32_0 : i32, i32, i32
  }
  func.func @transform_4(%arg0: i32) -> (i32, i32, i32) {
    %c0_i32 = arith.constant 0 : i32
    %c0_i32_0 = arith.constant 0 : i32
    %c0_i32_1 = arith.constant 0 : i32
    return %arg0, %c0_i32, %c0_i32_0 : i32, i32, i32
  }
  func.func @transform_5(%arg0: i32) -> i32 {
    %c0_i32 = arith.constant 0 : i32
    %c0_i32_0 = arith.constant 0 : i32
    return %c0_i32 : i32
  }
}

</mosaic_0001>

<sc_bundles>
// kernel: kernel.4.cloned.1.call-start
scs
__scs_entry_jumppad:
0x0: {  	(pc) =	sbr.rel $0x88, $3  }
0x1: {  	(tag) =	ssettag $0x0;
	lr =	simm.s32 $0x1  }
0x2: {  	[smem:$0x3F9F] =	sst lr;
	_ =	strace $0xD0000000  }
0x3: {  	_ = 	snop  }
0x4: {  	_ = 	snop  }
0x5: {  	_ = 	snop  }
0x6: {  	_ = 	snop  }
0x7: {  	_ = 	snop  }
__scs_overlays_trampoline_lowered:
0x8: {  	[smem:$0x3FAE] =	sst s0  }
0x9: {  	[smem:$0x3FAF] =	sst s1  }
0xa: {  	[smem:$0x3FB0] =	sst s2  }
0xb: {  	[smem:$0x3FB1] =	sst s3  }
0xc: {  	[smem:$0x3FB2] =	sst s4  }
0xd: {  	[smem:$0x3FB3] =	sst s5  }
0xe: {  	[smem:$0x3FB4] =	sst s6  }
0xf: {  	[smem:$0x3FB5] =	sst s7  }
0x10: {  	[smem:$0x3FB6] =	sst s8  }
0x11: {  	[smem:$0x3FB7] =	sst s9;
	s0 =	simm.s32 @!p0 $0x0  }
0x12: {  	s1 =	sld [smem:$0x3F9D];
	s0 =	simm.s32 @p0 $0x1  }
0x13: {  	[smem:$0x3FB8] =	sst s0;
	s0 =	simm.s32 @!p1 $0x0  }
0x14: {  	s2 =	sld [smem:$0x3F9C];
	s0 =	simm.s32 @p1 $0x1  }
0x15: {  	[smem:$0x3FB9] =	sst s0;
	s0 =	simm.s32 @!p2 $0x0  }
0x16: {  	s3 =	sld [smem:$0x3FDB];
	s0 =	simm.s32 @p2 $0x1  }
0x17: {  	s4 =	simm.s32 $0x1BF5;
	[smem:$0x3FBB] =	sst s0  }
0x18: {  	s0 =	sld [smem:$0x3F9E];
	_ =	swait.ge [sflag:s4], $0x0  }
0x19: {  	s7 =	sld [smem:$0x3F9F]  }
0x1a: {  	s8 =	sadd.s32 $0xFFFFE003, lr  }
0x1b: {  	s9 =	sadd.s32 $0xFFFFFEF7, lr;
	s5 =	simm.s32 $0xFFFFFFFF;
	p2 =	slt.u32 s8, $0xFFFFF086  }
0x1c: {  	p1 =	slt.u32 s9, $0xF7A;
	s5 =	simm.s32 @!p2 $0x0  }
0x1d: {  	s5 =	simm.s32 @p1 $0x1;
	p0 =	seq.s32 s7, s2  }
0x1e: {  	s7 =	smul.u32 @!p0 $0xF7A, s2;
	p2 =	seq.s32 @!p0 s5, $0x0  }
0x1f: {  	s9 =	smul.u32 $0xF7A, s1;
	s8 =	simm.s32 @!p0 $0x1BF5;
	p2 =	por !p2, p0  }
0x20: {  	[sflag:s8] =	ssyncset.s32 @!p0 $0xFFFFF086;
	s6 =	sadd.s32 @!p0 s3, s7;
	s7 =	simm.s32 @!p0 $0x108  }
0x21: {  	s3 =	sadd.s32 s3, s9;
	s6 =	sadd.s32 @!p0 $0x88, s6;
	s7 =	simm.s32 @p2 $0x1082  }
0x22: {  	[simem:s7], [sflag:s8] =	dma.local @!p0 [hbm:s6], $0xF7A  }
0x23: {  	s9 =	sor.u32 $0xD0000000, s2;
	s6 =	simm.s32 $0x108;
	_ =	swait.ge @!p0 [sflag:s8], $0x0  }
0x24: {  	s3 =	sadd.s32 $0x88, s3;
	s6 =	simm.s32 @!p1 $0x1082;
	[sflag:s4] =	ssyncset.s32 $0xFFFFF086  }
0x25: {  	[simem:s6], [sflag:s4] =	dma.local [hbm:s3], $0xF7A  }
0x26: {  	[smem:$0x3F9F] =	sst s1;
	(tag) =	ssettag s2;
	_ =	strace s9  }
0x27: {  	s1 =	sld [smem:$0x3FAF]  }
0x28: {  	s2 =	sld [smem:$0x3FB0]  }
0x29: {  	s4 =	sld [smem:$0x3FB2]  }
0x2a: {  	p0 =	seq.s32 s5, $0x0;
	s5 =	sld [smem:$0x3FB3]  }
0x2b: {  	s6 =	sld [smem:$0x3FB4]  }
0x2c: {  	s7 =	sld [smem:$0x3FB5]  }
0x2d: {  	s3 =	simm.s32 $0x108;
	s8 =	sld [smem:$0x3FB6]  }
0x2e: {  	s3 =	simm.s32 @!p0 $0x1082;
	s9 =	sld [smem:$0x3FB7]  }
0x2f: {  	lr =	sadd.s32 s0, s3;
	s0 =	sld [smem:$0x3FAE]  }
0x30: {  	s3 =	sld [smem:$0x3FB1]  }
0x31: {  	[smem:$0x3FBA] =	sst s10  }
0x32: {  	s10 =	sld [smem:$0x3FB8];
	_ =	sdelay $0x3  }
0x33: {  	p0 =	seq.s32 s10, $0x1;
	s10 =	sld [smem:$0x3FBA];
	_ =	sdelay $0x3  }
0x34: {  	[smem:$0x3FBA] =	sst s10  }
0x35: {  	s10 =	sld [smem:$0x3FB9];
	_ =	sdelay $0x3  }
0x36: {  	p1 =	seq.s32 s10, $0x1;
	s10 =	sld [smem:$0x3FBA];
	_ =	sdelay $0x3  }
0x37: {  	[smem:$0x3FBA] =	sst s10  }
0x38: {  	s10 =	sld [smem:$0x3FBB]  }
0x39: {  	_ = 	snop;
	(pc) =	sbr.ind lr, $3  }
0x3a: {  	_ = 	snop  }
0x3b: {  	_ = 	snop  }
0x3c: {  	p2 =	seq.s32 s10, $0x1;
	s10 =	sld [smem:$0x3FBA]  }
0x3d: {  	_ =	shalt  }
0x3e: {  	_ =	shalt  }
0x3f: {  	_ =	shalt  }
0x40: {  	_ =	shalt  }
0x41: {  	_ =	shalt  }
0x42: {  	_ =	shalt  }
0x43: {  	_ =	shalt  }
0x44: {  	_ =	shalt  }
0x45: {  	_ =	shalt  }
0x46: {  	_ =	shalt  }
0x47: {  	_ =	shalt  }
0x48: {  	_ =	shalt  }
0x49: {  	_ =	shalt  }
0x4a: {  	_ =	shalt  }
0x4b: {  	_ =	shalt  }
0x4c: {  	_ =	shalt  }
0x4d: {  	_ =	shalt  }
0x4e: {  	_ =	shalt  }
0x4f: {  	_ =	shalt  }
0x50: {  	_ =	shalt  }
0x51: {  	_ =	shalt  }
0x52: {  	_ =	shalt  }
0x53: {  	_ =	shalt  }
0x54: {  	_ =	shalt  }
0x55: {  	_ =	shalt  }
0x56: {  	_ =	shalt  }
0x57: {  	_ =	shalt  }
0x58: {  	_ =	shalt  }
0x59: {  	_ =	shalt  }
0x5a: {  	_ =	shalt  }
0x5b: {  	_ =	shalt  }
0x5c: {  	_ =	shalt  }
0x5d: {  	_ =	shalt  }
0x5e: {  	_ =	shalt  }
0x5f: {  	_ =	shalt  }
0x60: {  	_ =	shalt  }
0x61: {  	_ =	shalt  }
0x62: {  	_ =	shalt  }
0x63: {  	_ =	shalt  }
0x64: {  	_ =	shalt  }
0x65: {  	_ =	shalt  }
0x66: {  	_ =	shalt  }
0x67: {  	_ =	shalt  }
0x68: {  	_ =	shalt  }
0x69: {  	_ =	shalt  }
0x6a: {  	_ =	shalt  }
0x6b: {  	_ =	shalt  }
0x6c: {  	_ =	shalt  }
0x6d: {  	_ =	shalt  }
0x6e: {  	_ =	shalt  }
0x6f: {  	_ =	shalt  }
0x70: {  	_ =	shalt  }
0x71: {  	_ =	shalt  }
0x72: {  	_ =	shalt  }
0x73: {  	_ =	shalt  }
0x74: {  	_ =	shalt  }
0x75: {  	_ =	shalt  }
0x76: {  	_ =	shalt  }
0x77: {  	_ =	shalt  }
0x78: {  	_ =	shalt  }
0x79: {  	_ =	shalt  }
0x7a: {  	_ =	shalt  }
0x7b: {  	_ =	shalt  }
0x7c: {  	_ =	shalt  }
0x7d: {  	_ =	shalt  }
0x7e: {  	_ =	shalt  }
0x7f: {  	_ =	shalt  }
0x80: {  	_ =	shalt  }
0x81: {  	_ =	shalt  }
0x82: {  	_ =	shalt  }
0x83: {  	_ =	shalt  }
0x84: {  	_ =	shalt  }
0x85: {  	_ =	shalt  }
0x86: {  	_ =	shalt  }
0x87: {  	_ =	shalt  }
.Lfunc_end0:
.L_simem_size_0:
called_computation_lowered:
.L_overlay_start_0:
0x88: {  	s2 =	sld [smem:$0x3FD9]  }
0x89: {  	s3 =	sld [smem:$0x3FFE];
	_ =	sdelay $0x1  }
0x8a: {  	s1 =	srdreg.scid  }
0x8b: {  	s0 =	sand.u32 $0x1, s1  }
0x8c: {  	s14 =	sshll.u32 s0, $0xA;
	s2 =	sadd.s32 s3, s2  }
0x8d: {  	s2 =	sadd.s32 s2, s14  }
0x8e: {  	[smem:$0x3FC6] =	sst s2  }
0x8f: {  	_ = 	snop  }
0x90: {  	s2 =	sld [smem:$0x3FD0];
	_ =	sdelay $0x2  }
0x91: {  	s15 =	simm.s32 $0xA;
	s4 =	simm.s32 $0x10  }
0x92: {  	[smem:s4], [sflag:s15] =	dma.local [hbm:s2], $0x1  }
0x93: {  	_ =	swait.eq [sflag:s15], $0x1  }
0x94: {  	[sflag:s15] =	ssyncset.done $0x0  }
0x95: {  	s16 =	sld [smem:$0x10];
	[sflag:s15] =	ssyncadd.s32 $0xFFFFFFFF  }
0x96: {  	s17 =	sld [smem:$0x11];
	(tm) =	ssettm $0x1  }
0x97: {  	s18 =	sld [smem:$0x3FFB];
	_ =	sdelay $0x3  }
0x98: {  	_ =	strace s18  }
0x99: {  	s4 =	sld [smem:$0x3FFC];
	_ =	sdelay $0x3  }
0x9a: {  	_ =	strace s4  }
0x9b: {  	s4 =	sld [smem:$0x3FFD];
	_ =	sdelay $0x3  }
0x9c: {  	_ =	strace s4  }
0x9d: {  	_ =	strace $0x8FFFFFFF  }
0x9e: {  	s19 =	sld [smem:$0x3FDB];
	_ =	sdelay $0x1  }
0x9f: {  	s5 =	simm.s32 $_scs_section_size  }
0xa0: {  	s6 =	simm.s32 $_size__tile_overlayer_lowered;
	s7 =	simm.s32 $_tile_overlayer_lowered  }
0xa1: {  	s22 =	simm.s32 $0x1BFF;
	s21 =	sshll.u32 s7, $0x1;
	s4 =	sadd.s32 s5, s19  }
0xa2: {  	s8 =	simm.s32 $0x0;
	s20 =	sshll.u32 s6, $0x1;
	s6 =	sadd.s32 s21, s4  }
0xa3: {  	[timem:s8], [sflag:s22] =	dma.local [hbm:s6], s20  }
0xa4: {  	_ =	swait.ge [sflag:s22], s20  }
0xa5: {  	s5 =	ssub.s32 $0x0, s20;
	[sflag:s22] =	ssyncset.done $0x0  }
0xa6: {  	[sflag:s22] =	ssyncadd.s32 s5;
	_ =	sdelay $0x1  }
0xa7: {  	s23 =	simm.s32 $0x1B8B  }
0xa8: {  	_ =	swait.ge [sflag:s23], $0x1  }
0xa9: {  	[sflag:s23] =	ssyncset.done $0x0  }
0xaa: {  	s25 =	simm.s32 $0x1B8E;
	s24 =	sld [smem:$0x3FFE];
	[sflag:s23] =	ssyncadd.s32 $0xFFFFFFFF  }
0xab: {  	s26 =	simm.s32 $execute0_lowered;
	[smem:$0x3FD2] =	sst s25  }
0xac: {  	s6 =	sshll.u32 s26, $0x1;
	_ =	strace $0x80000046;
	[dreg:$0x1] =	wrdreg $0xFFFFFFFF  }
0xad: {  	s28 =	simm.s32 $_size_execute0_lowered;
	s4 =	sadd.s32 s4, s6;
	[dreg:$0x0] =	wrdreg $0x0  }
0xae: {  	s6 =	sshll.u32 s28, $0x1;
	[dreg:$0x2] =	wrdreg s4  }
0xaf: {  	[dreg:$0x3] =	wrdreg s6  }
0xb0: {  	[dreg:$0x4] =	wrdreg $0xC0  }
0xb1: {  	_ =	task [dreg:s8], $0x5FFFF  }
0xb2: {  	[dreg:$0x1] =	wrdreg $0xFFFFFFFF  }
0xb3: {  	[dreg:$0x0] =	wrdreg $0x60  }
0xb4: {  	[dreg:$0x2] =	wrdreg s16  }
0xb5: {  	[dreg:$0x3] =	wrdreg s24  }
0xb6: {  	[dreg:$0x4] =	wrdreg s17  }
0xb7: {  	[dreg:$0x5] =	wrdreg $0x9  }
0xb8: {  	_ =	task.clear_ibuf [dreg:s8], $0x6FFFF;
	_ =	strace $0x90000046  }
0xb9: {  	s29 =	simm.s32 $0x9;
	_ =	strace $0x80000048  }
0xba: {  	_ =	swait.ge [sflag:s29], $0x1  }
0xbb: {  	[sflag:s29] =	ssyncadd.s32 $0xFFFFFFFF  }
0xbc: {  	_ =	strace $0x90000048  }
0xbd: {  	_ =	sfence  }
0xbe: {  	s30 =	sld [smem:$0x0];
	_ =	sdelay $0x2  }
0xbf: {  	s31 =	sshll.u32 s1, $0xD;
	s1 =	sshrl.u32 s1, $0x2  }
0xc0: {  	s3 =	sand.u32 $0x4000, s31;
	s1 =	sadd.s32 s1, s30  }
0xc1: {  	s0 =	sor.u32 s3, s0;
	s1 =	sshll.u32 s1, $0x11  }
0xc2: {  	s0 =	sor.u32 s1, s0  }
0xc3: {  	s0 =	sadd.s32 $0x8F2B, s0  }
0xc4: {  	[sflag:s0] =	ssyncadd.remote.s32 $0x1  }
0xc5: {  	_ =	sfence.sel $0xFFFF  }
0xc6: {  	[dreg:$0x0] =	wrdreg $0xFFFFFFFF;
	(pc) =	sbr.abs _section_cstart, $3  }
0xc7: {  	[dreg:$0x1] =	wrdreg $0xFFFFFFFF  }
0xc8: {  	_ =	task.clear_ibuf [dreg:s8], $0x2FFFF;
	_ =	strace $0x9FFFFFFF  }
0xc9: {  	(tm) =	ssettm $0x7FFFFFFF  }
tec
execute0_lowered:
.L_overlay_start_1:
0x0: {  	(tag) =	ssettag $0x1  }
0x1: {  	s5 =	rddreg [dreg:$0x0]  }
0x2: {  	s4 =	rddreg [dreg:$0x1]  }
0x3: {  	s7 =	rddreg [dreg:$0x2]  }
0x4: {  	s0 =	rddreg [dreg:$0x3];
	s3 =	srdreg.scid  }
0x5: {  	s1 =	stileid.u32;
	s2 =	simm.s32 $0x0;
	s11 =	simm.s32 $0xA00  }
0x6: {  	s12 =	simm.s32 $0xC00;
	s13 =	simm.s32 $0xC80;
	s14 =	simm.s32 $0x0  }
0x7: {  	s6 =	sand.u32 $0x1, s3;
	s31 =	sshll.u32 s1, $0x1;
	[smem:$0x7FF] =	sst s2  }
0x8: {  	s3 =	sor.u32 s6, s31;
	_ =	strace $0x80000047;
	s6 =	ssub.s32 $0x2, s6  }
0x9: {  	s8 =	sshll.u32 s3, $0x6;
	s10 =	sshrl.u32 s6, $0x1;
	p0 =	seq.s32 s3, $0x0  }
0xa: {  	s9 =	sadd.s32 s8, s4;
	s4 =	sadd.s32 $0x1000, s4;
	s10 =	ssub.s32 s6, s10  }
0xb: {  	s5 =	sadd.s32 s5, s8;
	s7 =	sadd.s32 s7, s8;
	s6 =	sadd.s32 $0x800, s9  }
0xc: {  	s8 =	smax.u32 s10, $0x1;
	s9 =	simm.s32 $0x1;
	s10 =	simm.s32 $0x800  }
.LBB2_1:
0xd: {  	[tilespmem:s2], [sflag:$0x1] =	stream.linear.gather [hbm4b:s4+s2], $0x800, $0x38;
	[tilespmem:$0xE80] =	vst v63  }
0xe: {  	_ =	swait.ge [sflag:s9], $0x800  }
0xf: {  	[sflag:s9] =	ssyncset.done $0x0  }
0x10: {  	[sflag:s9] =	ssyncadd.s32 $0xFFFFF800  }
0x11: {  	[tilespmem:s10], [sflag:$0x1] =	stream.linear.gather [hbm4b:s5+s2], $0x200, $0x38;
	[tilespmem:$0xE80] =	vst v63  }
0x12: {  	_ =	swait.ge [sflag:s9], $0x200  }
0x13: {  	[sflag:s9] =	ssyncset.done $0x0  }
.Ltmp0:
0x14: {  	[sflag:s9] =	ssyncadd.s32 $0xFFFFFE00;
	(pc) =	sbr.rel @p0 .LBB2_2-.Ltmp0, $4  }
0x15: {  	[tilespmem:s11], [sflag:$0x1] =	stream.linear.gather [hbm4b:s6+s2], $0x200, $0x38;
	[tilespmem:$0xE80] =	vst v63  }
0x16: {  	_ =	swait.ge [sflag:s9], $0x200  }
0x17: {  	[sflag:s9] =	ssyncset.done $0x0  }
0x18: {  	s16 =	simm.s32 $0x20;
	v0 =	vimm.s32 $0x0;
	[sflag:s9] =	ssyncadd.s32 $0xFFFFFE00  }
0x19: {  	v1 =	vld [tilespmem:s16+$0x10];
	p1 =	sne.s32 s3, $0x1  }
.Ltmp1:
0x1a: {  	v2 =	vld [tilespmem:s16+$0xFFFFFFF0];
	(pc) =	sbr.rel @!p1 .LBB2_5-.Ltmp1, $3  }
0x1b: {  	v3 =	vld [tilespmem:s16+$0x0]  }
0x1c: {  	v4 =	vld [tilespmem:s16+$0xFFFFFFE0];
	_ =	sdelay $0x1  }
0x1d: {  	s15 =	sadd.s32 $0xFFFFFFFF, s3;
	s16 =	sadd.s32 $0x40, s16;
	v5 =	vimm.s32 $0x0;
	v6 =	vimm.s32 $0x0;
	v1 =	vadd.s32 v0, v1  }
.LBB2_4:
0x1e: {  	v7 =	vld [tilespmem:s16+$0x10];
	p1 =	sne.s32 s15, $0x1;
	s15 =	sadd.s32 $0xFFFFFFFF, s15;
	v0 =	vadd.s32 v0, v2  }
.Ltmp2:
0x1f: {  	v2 =	vld [tilespmem:s16+$0xFFFFFFF0];
	v5 =	vadd.s32 v5, v3;
	(pc) =	sbr.rel @p1 .LBB2_4-.Ltmp2, $3  }
0x20: {  	v3 =	vld [tilespmem:s16+$0x0];
	v6 =	vadd.s32 v6, v4  }
0x21: {  	v4 =	vld [tilespmem:s16+$0xFFFFFFE0];
	_ =	sdelay $0x1  }
0x22: {  	s16 =	sadd.s32 $0x40, s16;
	v1 =	vadd.s32 v1, v7  }
.LBB2_5:
.Ltmp3:
0x23: {  	(pc) =	sbr.rel .LBB2_6-.Ltmp3, $2  }
0x24: {  	_ =	sdelay $0x2  }
0x25: {  	v2 =	vadd.s32 v0, v2;
	v3 =	vadd.s32 v5, v3;
	v0 =	vadd.s32 v6, v4  }
.LBB2_2:
0x26: {  	v2 =	vimm.s32 $0x0;
	v3 =	vimm.s32 $0x0;
	v1 =	vimm.s32 $0x0  }
.LBB2_6:
0x27: {  	[tilespmem:$0xC00] =	vst v0  }
0x28: {  	[tilespmem:$0xC10] =	vst v2  }
0x29: {  	[tilespmem:$0xC20] =	vst v3  }
0x2a: {  	[tilespmem:$0xC30] =	vst v1;
	s15 =	simm.s32 $0x0  }
0x2b: {  	v0 =	vld [tilespmem:s15+$0x800];
	_ =	sdelay $0x4  }
0x2c: {  	(xrf1) =	vunique.msk.u32 $0xffff, v0;
	_ =	sdelay $0xc  }
0x2d: {  	v1 =	vld.idx.msk [tilespmem:v0+s12+$0x0], $0xffff  }
0x2e: {  	_, v2, vm0 =	vpop (xrf1)  }
0x2f: {  	v3 =	vld [tilespmem:s15+$0xA00];
	_ =	sdelay $0x2  }
0x30: {  	v1 =	vadd.s32 v2, v1  }
0x31: {  	vm1 =	vlt.s32 v1, $0x141  }
0x32: {  	s16 =	simm.s32 $0x80;
	s17 =	simm.s32 $0x10;
	[tilespmem:v0+s12+$0x0] =	vst.idx.msk vm0, v1;
	v0 =	vnsel vm1, $0x0, v3  }
.LBB2_7:
0x33: {  	p1 =	sne.s32 s16, $0x7C0;
	v1 =	vld [tilespmem:s17+$0x800];
	[tilespmem:s15+$0xC80] =	vst v0;
	s18 =	smov.u32 s16;
	s16 =	sadd.s32 $0x40, s16  }
0x34: {  	s15 =	smov.u32 s17;
	_ =	sdelay $0x3  }
0x35: {  	(xrf1) =	vunique.msk.u32 $0xffff, v1;
	_ =	sdelay $0xb  }
0x36: {  	v0 =	vld.idx.msk [tilespmem:v1+s12+$0x0], $0xffff;
	_ =	sdelay $0x1  }
0x37: {  	_, v2, vm0 =	vpop (xrf1)  }
0x38: {  	v3 =	vld [tilespmem:s15+$0xA00]  }
.Ltmp4:
0x39: {  	(pc) =	sbr.rel @p1 .LBB2_7-.Ltmp4, $4  }
0x3a: {  	_ = 	snop  }
0x3b: {  	v0 =	vadd.s32 v2, v0  }
0x3c: {  	vm1 =	vlt.s32 v0, $0x141  }
0x3d: {  	s17 =	sshra.s32 s18, $0x2;
	[tilespmem:v1+s12+$0x0] =	vst.idx.msk vm0, v0;
	v0 =	vnsel vm1, $0x0, v3  }
0x3e: {  	v1 =	vld [tilespmem:s17+$0x800];
	_ =	sdelay $0x4  }
0x3f: {  	(xrf1) =	vunique.msk.u32 $0xffff, v1;
	_ =	sdelay $0xb  }
0x40: {  	[tilespmem:s15+$0xC80] =	vst v0  }
0x41: {  	v0 =	vld.idx.msk [tilespmem:v1+s12+$0x0], $0xffff  }
0x42: {  	_, v2, vm0 =	vpop (xrf1)  }
0x43: {  	v3 =	vld [tilespmem:s17+$0xA00];
	_ =	sdelay $0x2  }
0x44: {  	v0 =	vadd.s32 v2, v0  }
0x45: {  	s14 =	sadd.s32 $0x1, s14;
	vm1 =	vlt.s32 v0, $0x141  }
0x46: {  	p1 =	sne.s32 s14, s8;
	v63 =	vnsel vm1, $0x0, v3;
	[tilespmem:v1+s12+$0x0] =	vst.idx.msk vm0, v0  }
.Ltmp5:
0x47: {  	[tilespmem:s17+$0xC80] =	vst v63;
	(pc) =	sbr.rel @p1 .LBB2_1-.Ltmp5, $4  }
0x48: {  	[hbm4b:s7+s2] =	stream.linear.scatter [tilespmem:s13], [sflag:$0x1], $0x200, $0x38;
	[tilespmem:$0xE80] =	vst v63  }
0x49: {  	_ =	swait.ge [sflag:s9], $0x200  }
0x4a: {  	[sflag:s9] =	ssyncset.done $0x0  }
0x4b: {  	[sflag:s9] =	ssyncadd.s32 $0xFFFFFE00  }
0x4c: {  	_ =	sfence.sel $0x180000  }
0x4d: {  	[bflag:$0x0] =	sbarrier.arrive $0xFFFF  }
0x4e: {  	p0 =	sne.s32 s1, $0x0;
	_ =	strace $0x90000047  }
0x4f: {  	s0 =	sadd.s32 @!p0 $0x100000, s0;
	[bflag:$0x2] =	sbarrier.arrive $0xFFFF  }
0x50: {  	[sflag:s0] =	ssyncadd.tile.s32 @!p0 $0x1;
	_ =	shalt  }
.Lfunc_end2:
_tile_overlayer_lowered:
.L_overlay_start_2:
0x51: {  	(tag) =	ssettag $0x2  }
0x52: {  	s0 =	rddreg [dreg:$0x0];
	s2 =	stileid.u32  }
0x53: {  	s1 =	rddreg [dreg:$0x1];
	p0 =	sne.s32 s2, $0x0  }
0x54: {  	s3 =	rddreg [dreg:$0x2];
	[bflag:$0x3] =	sbarrier.arrive $0xFFFF;
	s2 =	simm.s32 @!p0 $0x1C01  }
0x55: {  	[timem:s3], [sflag:s2] =	dma.local @!p0 [hbm:s0], s1  }
0x56: {  	s0 =	simm.s32 @!p0 $0x1  }
0x57: {  	_ =	swait.ge @!p0 [sflag:s0], s1  }
0x58: {  	s1 =	ssub.s32 @!p0 $0x0, s1;
	[sflag:s0] =	ssyncset.done @!p0 $0x0  }
0x59: {  	[sflag:s0] =	ssyncadd.s32 @!p0 s1  }
0x5a: {  	[bflag:$0x3] =	sbarrier.arrive $0xFFFF  }
0x5b: {  	_ =	shalt  }

</sc_bundles>
